<compile_context>
chip_gen: v7x
topology: tpu7x:2x2x1
jax: 0.10.2.dev20260603
libtpu: 0.0.44.dev20260713+nightly
codegen_flags: <defaults>
</compile_context>

<pallas_src>
import functools

import jax
import jax.numpy as jnp
from jax import lax
from jax.experimental import pallas as pl
from jax.experimental.pallas import tpu as pltpu
from jax.experimental.pallas import tpu_sc as plsc

_NC = 2
_NS = 16
_NW = _NC * _NS
_CHUNK = 128


@functools.lru_cache(maxsize=None)
def _make_gather(B, D):
    b_per_w = B // _NW
    nchunks = b_per_w // _CHUNK
    mesh = plsc.VectorSubcoreMesh(
        core_axis_name="c", subcore_axis_name="s",
        num_cores=_NC, num_subcores=_NS)

    @functools.partial(
        pl.kernel,
        out_type=(jax.ShapeDtypeStruct((B, D), jnp.float32),
                  jax.ShapeDtypeStruct((B, D), jnp.float32)),
        mesh=mesh,
        scratch_types=[
            pltpu.VMEM((b_per_w,), jnp.int32),
            pltpu.VMEM((b_per_w,), jnp.int32),
            pltpu.VMEM((_CHUNK, D), jnp.float32),
            pltpu.VMEM((_CHUNK, D), jnp.float32),
            pltpu.SemaphoreType.DMA,
        ],
        compiler_params=pltpu.CompilerParams(use_tc_tiling_on_sc=False),
    )
    def gather(a_hbm, b_hbm, ea_hbm, eb_hbm, xa_hbm, xb_hbm,
               ia_v, ib_v, ra_v, rb_v, sem):
        wid = lax.axis_index("s") * _NC + lax.axis_index("c")
        base = wid * b_per_w
        pltpu.sync_copy(a_hbm.at[pl.ds(base, b_per_w)], ia_v)
        pltpu.sync_copy(b_hbm.at[pl.ds(base, b_per_w)], ib_v)
        for t in range(nchunks):
            ca = pltpu.async_copy(
                ea_hbm.at[ia_v.at[pl.ds(t * _CHUNK, _CHUNK)]], ra_v, sem)
            cb = pltpu.async_copy(
                eb_hbm.at[ib_v.at[pl.ds(t * _CHUNK, _CHUNK)]], rb_v, sem)
            ca.wait()
            cb.wait()
            pltpu.sync_copy(ra_v, xa_hbm.at[pl.ds(base + t * _CHUNK, _CHUNK)])
            pltpu.sync_copy(rb_v, xb_hbm.at[pl.ds(base + t * _CHUNK, _CHUNK)])

    return gather


def _mlp_body(xa_ref, xb_ref, w1t_ref, b1_ref, w2t_ref, b2_ref, out_ref):
    x = xa_ref[...] + xb_ref[...]
    h = lax.dot_general(x, w1t_ref[...], (((1,), (0,)), ((), ())),
                        preferred_element_type=jnp.float32)
    h = jnp.maximum(h + b1_ref[...], 0.0)
    out = lax.dot_general(h, w2t_ref[...], (((1,), (0,)), ((), ())),
                          preferred_element_type=jnp.float32)
    out_ref[...] = out + b2_ref[...]


@functools.lru_cache(maxsize=None)
def _make_mlp(B, D, H, P, BT=512, PT=2048):
    nb = B // BT
    npt = pl.cdiv(P, PT)
    grid = (npt, nb)
    return pl.pallas_call(
        _mlp_body,
        grid=grid,
        in_specs=[
            pl.BlockSpec((BT, D), lambda j, i: (i, 0)),
            pl.BlockSpec((BT, D), lambda j, i: (i, 0)),
            pl.BlockSpec((D, H), lambda j, i: (0, 0)),
            pl.BlockSpec((1, H), lambda j, i: (0, 0)),
            pl.BlockSpec((H, PT), lambda j, i: (0, j)),
            pl.BlockSpec((1, PT), lambda j, i: (0, j)),
        ],
        out_specs=pl.BlockSpec((BT, PT), lambda j, i: (i, j)),
        out_shape=jax.ShapeDtypeStruct((B, P), jnp.float32),
        compiler_params=pltpu.CompilerParams(
            dimension_semantics=("arbitrary", "arbitrary")),
    )


def kernel(a, b, emb_a, emb_b, W1, b1, W2, b2):
    B = a.shape[0]
    P, D = emb_a.shape
    H = W1.shape[0]
    xa, xb = _make_gather(B, D)(a, b, emb_a, emb_b)
    mlp = _make_mlp(B, D, H, P)
    return mlp(xa, xb, W1.T, b1.reshape(1, H), W2.T, b2.reshape(1, P))

# --- scband reference (transcript-rebuilt; emitter-appended) ---
"""Pipeline reference for scband-embed-add-mlp-11458972745892 (READ-ONLY COPY).

The authoritative reference and input builder live on the scoring server;
editing this copy changes nothing except your own understanding.
"""

import jax, jax.numpy as jnp
import numpy as np

P = 100000
D_MODEL = 64
HIDDEN = 128
BATCH = 16384

def _xavier(key, shape):
    fan_in, fan_out = shape[1], shape[0]
    limit = jnp.sqrt(6.0 / (fan_in + fan_out))
    return jax.random.uniform(key, shape, jnp.float32, -limit, limit)

def setup_inputs(seed: int = 0) -> dict:
    key = jax.random.key(seed)
    k_a, k_b, k_ea, k_eb, k_w1, k_w2 = jax.random.split(key, 6)
    a = jax.random.randint(k_a, (BATCH,), 0, P, dtype=jnp.int64 if jax.config.jax_enable_x64 else jnp.int32)
    b = jax.random.randint(k_b, (BATCH,), 0, P, dtype=jnp.int64 if jax.config.jax_enable_x64 else jnp.int32)
    # xavier_uniform for embedding: shape (P, d_model), torch treats as (fan_out=P? no, fan_in=d_model rows) -> use (num_emb, dim)
    lim_e = jnp.sqrt(6.0 / (P + D_MODEL))
    emb_a = jax.random.uniform(k_ea, (P, D_MODEL), jnp.float32, -lim_e, lim_e)
    emb_b = jax.random.uniform(k_eb, (P, D_MODEL), jnp.float32, -lim_e, lim_e)
    W1 = _xavier(k_w1, (HIDDEN, D_MODEL))
    b1 = jnp.zeros((HIDDEN,), jnp.float32)
    W2 = _xavier(k_w2, (P, HIDDEN))
    b2 = jnp.zeros((P,), jnp.float32)
    return {"a": a, "b": b, "emb_a": emb_a, "emb_b": emb_b, "W1": W1, "b1": b1, "W2": W2, "b2": b2}

def reference(a, b, emb_a, emb_b, W1, b1, W2, b2):
    x = jnp.take(emb_a, a, axis=0) + jnp.take(emb_b, b, axis=0)
    x = jax.nn.relu(x @ W1.T + b1)
    return x @ W2.T + b2

if __name__ == "__main__":
    import jax
    _d = setup_inputs()
    print(jax.jit(kernel)(*tuple(_d.values())))

</pallas_src>

<mosaic_0001>
#map = affine_map<(d0, d1) -> (0)>
#map1 = affine_map<(d0, d1) -> (0, 0)>
module attributes {stable_mosaic.version = 14 : i64} {
  func.func @gather(%arg0: i32, %arg1: i32, %arg2: memref<16384xi32, #tpu.memory_space<hbm>>, %arg3: memref<16384xi32, #tpu.memory_space<hbm>>, %arg4: memref<100000x64xf32, #tpu.memory_space<hbm>>, %arg5: memref<100000x64xf32, #tpu.memory_space<hbm>>, %arg6: memref<16384x64xf32, #tpu.memory_space<hbm>>, %arg7: memref<16384x64xf32, #tpu.memory_space<hbm>>, %arg8: memref<512xi32, #tpu.memory_space<vmem>>, %arg9: memref<512xi32, #tpu.memory_space<vmem>>, %arg10: memref<128x64xf32, #tpu.memory_space<vmem>>, %arg11: memref<128x64xf32, #tpu.memory_space<vmem>>, %arg12: memref<!tpu.dma_semaphore, #tpu.memory_space<semaphore_mem>>) attributes {dimension_semantics = [#tpu.dimension_semantics<core_parallel>, #tpu.dimension_semantics<subcore_parallel>], iteration_bounds = array<i64: 2, 16>, scalar_prefetch = 0 : i64, scratch_operands = 5 : i64, tpu.core_type = #tpu.core_type<sc_vector_subcore>, window_params = [{transform_indices = #map}, {transform_indices = #map}, {transform_indices = #map1}, {transform_indices = #map1}, {transform_indices = #map1}, {transform_indices = #map1}]} {
    %mul3A = arith.constant 2 : i32
    %mul3A_0 = arith.muli %arg1, %mul3A : i32
    %add3A = arith.addi %mul3A_0, %arg0 : i32
    %mul3A_1 = arith.constant 512 : i32
    %mul3A_2 = arith.muli %add3A, %mul3A_1 : i32
    "tpu.region"() ({
      %run_scoped3A = tpu.sem_alloc : memref<!tpu.dma_semaphore, #tpu.memory_space<semaphore_mem>>
      %dma_start3A_97 = tpu.memref_slice %arg2[%mul3A_2] : memref<16384xi32, #tpu.memory_space<hbm>> -> memref<512xi32, #tpu.memory_space<hbm>>
      %dma_start3A_98 = tpu.memref_slice %arg2[%mul3A_2] : memref<16384xi32, #tpu.memory_space<hbm>> -> memref<512xi32, #tpu.memory_space<hbm>>
      tpu.enqueue_dma source(%dma_start3A_98 : memref<512xi32, #tpu.memory_space<hbm>>) target(%arg8 : memref<512xi32, #tpu.memory_space<vmem>>) target_semaphore(%run_scoped3A : memref<!tpu.dma_semaphore, #tpu.memory_space<semaphore_mem>>)
      %dma_wait3A_99 = tpu.memref_slice %arg2[%mul3A_2] : memref<16384xi32, #tpu.memory_space<hbm>> -> memref<512xi32, #tpu.memory_space<hbm>>
      %dma_wait3A_100 = tpu.memref_slice %arg2[%mul3A_2] : memref<16384xi32, #tpu.memory_space<hbm>> -> memref<512xi32, #tpu.memory_space<hbm>>
      tpu.wait_dma2 semaphore(%run_scoped3A : memref<!tpu.dma_semaphore, #tpu.memory_space<semaphore_mem>>) src(%dma_wait3A_100 : memref<512xi32, #tpu.memory_space<hbm>>) dst(%arg8 : memref<512xi32, #tpu.memory_space<vmem>>)
      tpu.yield
    }) : () -> ()
    "tpu.region"() ({
      %run_scoped3A = tpu.sem_alloc : memref<!tpu.dma_semaphore, #tpu.memory_space<semaphore_mem>>
      %dma_start3A_97 = tpu.memref_slice %arg3[%mul3A_2] : memref<16384xi32, #tpu.memory_space<hbm>> -> memref<512xi32, #tpu.memory_space<hbm>>
      %dma_start3A_98 = tpu.memref_slice %arg3[%mul3A_2] : memref<16384xi32, #tpu.memory_space<hbm>> -> memref<512xi32, #tpu.memory_space<hbm>>
      tpu.enqueue_dma source(%dma_start3A_98 : memref<512xi32, #tpu.memory_space<hbm>>) target(%arg9 : memref<512xi32, #tpu.memory_space<vmem>>) target_semaphore(%run_scoped3A : memref<!tpu.dma_semaphore, #tpu.memory_space<semaphore_mem>>)
      %dma_wait3A_99 = tpu.memref_slice %arg3[%mul3A_2] : memref<16384xi32, #tpu.memory_space<hbm>> -> memref<512xi32, #tpu.memory_space<hbm>>
      %dma_wait3A_100 = tpu.memref_slice %arg3[%mul3A_2] : memref<16384xi32, #tpu.memory_space<hbm>> -> memref<512xi32, #tpu.memory_space<hbm>>
      tpu.wait_dma2 semaphore(%run_scoped3A : memref<!tpu.dma_semaphore, #tpu.memory_space<semaphore_mem>>) src(%dma_wait3A_100 : memref<512xi32, #tpu.memory_space<hbm>>) dst(%arg9 : memref<512xi32, #tpu.memory_space<vmem>>)
      tpu.yield
    }) : () -> ()
    %dma_start3A = arith.constant 0 : i32
    %dma_start3A_3 = tpu.memref_slice %arg8[%dma_start3A] : memref<512xi32, #tpu.memory_space<vmem>> -> memref<128xi32, #tpu.memory_space<vmem>>
    %dma_start3A_4 = arith.constant 0 : i32
    %dma_start3A_5 = arith.constant 0 : i32
    %dma_start3A_6 = tpu.memref_slice %arg4[%dma_start3A_4, %dma_start3A_5] : memref<100000x64xf32, #tpu.memory_space<hbm>> -> memref<100000x64xf32, #tpu.memory_space<hbm>>
    tpu.enqueue_indirect_dma source(%dma_start3A_6 : memref<100000x64xf32, #tpu.memory_space<hbm>>) target(%arg10 : memref<128x64xf32, #tpu.memory_space<vmem>>) offsets(%dma_start3A_3 : memref<128xi32, #tpu.memory_space<vmem>>) semaphore(%arg12 : memref<!tpu.dma_semaphore, #tpu.memory_space<semaphore_mem>>)
    %dma_start3A_7 = arith.constant 0 : i32
    %dma_start3A_8 = tpu.memref_slice %arg9[%dma_start3A_7] : memref<512xi32, #tpu.memory_space<vmem>> -> memref<128xi32, #tpu.memory_space<vmem>>
    %dma_start3A_9 = arith.constant 0 : i32
    %dma_start3A_10 = arith.constant 0 : i32
    %dma_start3A_11 = tpu.memref_slice %arg5[%dma_start3A_9, %dma_start3A_10] : memref<100000x64xf32, #tpu.memory_space<hbm>> -> memref<100000x64xf32, #tpu.memory_space<hbm>>
    tpu.enqueue_indirect_dma source(%dma_start3A_11 : memref<100000x64xf32, #tpu.memory_space<hbm>>) target(%arg11 : memref<128x64xf32, #tpu.memory_space<vmem>>) offsets(%dma_start3A_8 : memref<128xi32, #tpu.memory_space<vmem>>) semaphore(%arg12 : memref<!tpu.dma_semaphore, #tpu.memory_space<semaphore_mem>>)
    %dma_wait3A = arith.constant 0 : i32
    %dma_wait3A_12 = tpu.memref_slice %arg8[%dma_wait3A] : memref<512xi32, #tpu.memory_space<vmem>> -> memref<128xi32, #tpu.memory_space<vmem>>
    %dma_wait3A_13 = arith.constant 0 : i32
    %dma_wait3A_14 = arith.constant 0 : i32
    %dma_wait3A_15 = tpu.memref_slice %arg4[%dma_wait3A_13, %dma_wait3A_14] : memref<100000x64xf32, #tpu.memory_space<hbm>> -> memref<100000x64xf32, #tpu.memory_space<hbm>>
    tpu.wait_indirect_dma semaphore(%arg12 : memref<!tpu.dma_semaphore, #tpu.memory_space<semaphore_mem>>) src(%dma_wait3A_15 : memref<100000x64xf32, #tpu.memory_space<hbm>>) dst(%arg10 : memref<128x64xf32, #tpu.memory_space<vmem>>)
    %dma_wait3A_16 = arith.constant 0 : i32
    %dma_wait3A_17 = tpu.memref_slice %arg9[%dma_wait3A_16] : memref<512xi32, #tpu.memory_space<vmem>> -> memref<128xi32, #tpu.memory_space<vmem>>
    %dma_wait3A_18 = arith.constant 0 : i32
    %dma_wait3A_19 = arith.constant 0 : i32
    %dma_wait3A_20 = tpu.memref_slice %arg5[%dma_wait3A_18, %dma_wait3A_19] : memref<100000x64xf32, #tpu.memory_space<hbm>> -> memref<100000x64xf32, #tpu.memory_space<hbm>>
    tpu.wait_indirect_dma semaphore(%arg12 : memref<!tpu.dma_semaphore, #tpu.memory_space<semaphore_mem>>) src(%dma_wait3A_20 : memref<100000x64xf32, #tpu.memory_space<hbm>>) dst(%arg11 : memref<128x64xf32, #tpu.memory_space<vmem>>)
    %add3A_21 = arith.constant 0 : i32
    %add3A_22 = arith.addi %mul3A_2, %add3A_21 : i32
    "tpu.region"() ({
      %run_scoped3A = tpu.sem_alloc : memref<!tpu.dma_semaphore, #tpu.memory_space<semaphore_mem>>
      %dma_start3A_97 = arith.constant 0 : i32
      %dma_start3A_98 = tpu.memref_slice %arg6[%add3A_22, %dma_start3A_97] : memref<16384x64xf32, #tpu.memory_space<hbm>> -> memref<128x64xf32, #tpu.memory_space<hbm>>
      %dma_start3A_99 = arith.constant 0 : i32
      %dma_start3A_100 = tpu.memref_slice %arg6[%add3A_22, %dma_start3A_99] : memref<16384x64xf32, #tpu.memory_space<hbm>> -> memref<128x64xf32, #tpu.memory_space<hbm>>
      tpu.enqueue_dma source(%arg10 : memref<128x64xf32, #tpu.memory_space<vmem>>) target(%dma_start3A_100 : memref<128x64xf32, #tpu.memory_space<hbm>>) target_semaphore(%run_scoped3A : memref<!tpu.dma_semaphore, #tpu.memory_space<semaphore_mem>>)
      %dma_wait3A_101 = arith.constant 0 : i32
      %dma_wait3A_102 = tpu.memref_slice %arg6[%add3A_22, %dma_wait3A_101] : memref<16384x64xf32, #tpu.memory_space<hbm>> -> memref<128x64xf32, #tpu.memory_space<hbm>>
      %dma_wait3A_103 = arith.constant 0 : i32
      %dma_wait3A_104 = tpu.memref_slice %arg6[%add3A_22, %dma_wait3A_103] : memref<16384x64xf32, #tpu.memory_space<hbm>> -> memref<128x64xf32, #tpu.memory_space<hbm>>
      tpu.wait_dma2 semaphore(%run_scoped3A : memref<!tpu.dma_semaphore, #tpu.memory_space<semaphore_mem>>) src(%arg10 : memref<128x64xf32, #tpu.memory_space<vmem>>) dst(%dma_wait3A_104 : memref<128x64xf32, #tpu.memory_space<hbm>>)
      tpu.yield
    }) : () -> ()
    %add3A_23 = arith.constant 0 : i32
    %add3A_24 = arith.addi %mul3A_2, %add3A_23 : i32
    "tpu.region"() ({
      %run_scoped3A = tpu.sem_alloc : memref<!tpu.dma_semaphore, #tpu.memory_space<semaphore_mem>>
      %dma_start3A_97 = arith.constant 0 : i32
      %dma_start3A_98 = tpu.memref_slice %arg7[%add3A_24, %dma_start3A_97] : memref<16384x64xf32, #tpu.memory_space<hbm>> -> memref<128x64xf32, #tpu.memory_space<hbm>>
      %dma_start3A_99 = arith.constant 0 : i32
      %dma_start3A_100 = tpu.memref_slice %arg7[%add3A_24, %dma_start3A_99] : memref<16384x64xf32, #tpu.memory_space<hbm>> -> memref<128x64xf32, #tpu.memory_space<hbm>>
      tpu.enqueue_dma source(%arg11 : memref<128x64xf32, #tpu.memory_space<vmem>>) target(%dma_start3A_100 : memref<128x64xf32, #tpu.memory_space<hbm>>) target_semaphore(%run_scoped3A : memref<!tpu.dma_semaphore, #tpu.memory_space<semaphore_mem>>)
      %dma_wait3A_101 = arith.constant 0 : i32
      %dma_wait3A_102 = tpu.memref_slice %arg7[%add3A_24, %dma_wait3A_101] : memref<16384x64xf32, #tpu.memory_space<hbm>> -> memref<128x64xf32, #tpu.memory_space<hbm>>
      %dma_wait3A_103 = arith.constant 0 : i32
      %dma_wait3A_104 = tpu.memref_slice %arg7[%add3A_24, %dma_wait3A_103] : memref<16384x64xf32, #tpu.memory_space<hbm>> -> memref<128x64xf32, #tpu.memory_space<hbm>>
      tpu.wait_dma2 semaphore(%run_scoped3A : memref<!tpu.dma_semaphore, #tpu.memory_space<semaphore_mem>>) src(%arg11 : memref<128x64xf32, #tpu.memory_space<vmem>>) dst(%dma_wait3A_104 : memref<128x64xf32, #tpu.memory_space<hbm>>)
      tpu.yield
    }) : () -> ()
    %dma_start3A_25 = arith.constant 128 : i32
    %dma_start3A_26 = tpu.memref_slice %arg8[%dma_start3A_25] : memref<512xi32, #tpu.memory_space<vmem>> -> memref<128xi32, #tpu.memory_space<vmem>>
    %dma_start3A_27 = arith.constant 0 : i32
    %dma_start3A_28 = arith.constant 0 : i32
    %dma_start3A_29 = tpu.memref_slice %arg4[%dma_start3A_27, %dma_start3A_28] : memref<100000x64xf32, #tpu.memory_space<hbm>> -> memref<100000x64xf32, #tpu.memory_space<hbm>>
    tpu.enqueue_indirect_dma source(%dma_start3A_29 : memref<100000x64xf32, #tpu.memory_space<hbm>>) target(%arg10 : memref<128x64xf32, #tpu.memory_space<vmem>>) offsets(%dma_start3A_26 : memref<128xi32, #tpu.memory_space<vmem>>) semaphore(%arg12 : memref<!tpu.dma_semaphore, #tpu.memory_space<semaphore_mem>>)
    %dma_start3A_30 = arith.constant 128 : i32
    %dma_start3A_31 = tpu.memref_slice %arg9[%dma_start3A_30] : memref<512xi32, #tpu.memory_space<vmem>> -> memref<128xi32, #tpu.memory_space<vmem>>
    %dma_start3A_32 = arith.constant 0 : i32
    %dma_start3A_33 = arith.constant 0 : i32
    %dma_start3A_34 = tpu.memref_slice %arg5[%dma_start3A_32, %dma_start3A_33] : memref<100000x64xf32, #tpu.memory_space<hbm>> -> memref<100000x64xf32, #tpu.memory_space<hbm>>
    tpu.enqueue_indirect_dma source(%dma_start3A_34 : memref<100000x64xf32, #tpu.memory_space<hbm>>) target(%arg11 : memref<128x64xf32, #tpu.memory_space<vmem>>) offsets(%dma_start3A_31 : memref<128xi32, #tpu.memory_space<vmem>>) semaphore(%arg12 : memref<!tpu.dma_semaphore, #tpu.memory_space<semaphore_mem>>)
    %dma_wait3A_35 = arith.constant 128 : i32
    %dma_wait3A_36 = tpu.memref_slice %arg8[%dma_wait3A_35] : memref<512xi32, #tpu.memory_space<vmem>> -> memref<128xi32, #tpu.memory_space<vmem>>
    %dma_wait3A_37 = arith.constant 0 : i32
    %dma_wait3A_38 = arith.constant 0 : i32
    %dma_wait3A_39 = tpu.memref_slice %arg4[%dma_wait3A_37, %dma_wait3A_38] : memref<100000x64xf32, #tpu.memory_space<hbm>> -> memref<100000x64xf32, #tpu.memory_space<hbm>>
    tpu.wait_indirect_dma semaphore(%arg12 : memref<!tpu.dma_semaphore, #tpu.memory_space<semaphore_mem>>) src(%dma_wait3A_39 : memref<100000x64xf32, #tpu.memory_space<hbm>>) dst(%arg10 : memref<128x64xf32, #tpu.memory_space<vmem>>)
    %dma_wait3A_40 = arith.constant 128 : i32
    %dma_wait3A_41 = tpu.memref_slice %arg9[%dma_wait3A_40] : memref<512xi32, #tpu.memory_space<vmem>> -> memref<128xi32, #tpu.memory_space<vmem>>
    %dma_wait3A_42 = arith.constant 0 : i32
    %dma_wait3A_43 = arith.constant 0 : i32
    %dma_wait3A_44 = tpu.memref_slice %arg5[%dma_wait3A_42, %dma_wait3A_43] : memref<100000x64xf32, #tpu.memory_space<hbm>> -> memref<100000x64xf32, #tpu.memory_space<hbm>>
    tpu.wait_indirect_dma semaphore(%arg12 : memref<!tpu.dma_semaphore, #tpu.memory_space<semaphore_mem>>) src(%dma_wait3A_44 : memref<100000x64xf32, #tpu.memory_space<hbm>>) dst(%arg11 : memref<128x64xf32, #tpu.memory_space<vmem>>)
    %add3A_45 = arith.constant 128 : i32
    %add3A_46 = arith.addi %mul3A_2, %add3A_45 : i32
    "tpu.region"() ({
      %run_scoped3A = tpu.sem_alloc : memref<!tpu.dma_semaphore, #tpu.memory_space<semaphore_mem>>
      %dma_start3A_97 = arith.constant 0 : i32
      %dma_start3A_98 = tpu.memref_slice %arg6[%add3A_46, %dma_start3A_97] : memref<16384x64xf32, #tpu.memory_space<hbm>> -> memref<128x64xf32, #tpu.memory_space<hbm>>
      %dma_start3A_99 = arith.constant 0 : i32
      %dma_start3A_100 = tpu.memref_slice %arg6[%add3A_46, %dma_start3A_99] : memref<16384x64xf32, #tpu.memory_space<hbm>> -> memref<128x64xf32, #tpu.memory_space<hbm>>
      tpu.enqueue_dma source(%arg10 : memref<128x64xf32, #tpu.memory_space<vmem>>) target(%dma_start3A_100 : memref<128x64xf32, #tpu.memory_space<hbm>>) target_semaphore(%run_scoped3A : memref<!tpu.dma_semaphore, #tpu.memory_space<semaphore_mem>>)
      %dma_wait3A_101 = arith.constant 0 : i32
      %dma_wait3A_102 = tpu.memref_slice %arg6[%add3A_46, %dma_wait3A_101] : memref<16384x64xf32, #tpu.memory_space<hbm>> -> memref<128x64xf32, #tpu.memory_space<hbm>>
      %dma_wait3A_103 = arith.constant 0 : i32
      %dma_wait3A_104 = tpu.memref_slice %arg6[%add3A_46, %dma_wait3A_103] : memref<16384x64xf32, #tpu.memory_space<hbm>> -> memref<128x64xf32, #tpu.memory_space<hbm>>
      tpu.wait_dma2 semaphore(%run_scoped3A : memref<!tpu.dma_semaphore, #tpu.memory_space<semaphore_mem>>) src(%arg10 : memref<128x64xf32, #tpu.memory_space<vmem>>) dst(%dma_wait3A_104 : memref<128x64xf32, #tpu.memory_space<hbm>>)
      tpu.yield
    }) : () -> ()
    %add3A_47 = arith.constant 128 : i32
    %add3A_48 = arith.addi %mul3A_2, %add3A_47 : i32
    "tpu.region"() ({
      %run_scoped3A = tpu.sem_alloc : memref<!tpu.dma_semaphore, #tpu.memory_space<semaphore_mem>>
      %dma_start3A_97 = arith.constant 0 : i32
      %dma_start3A_98 = tpu.memref_slice %arg7[%add3A_48, %dma_start3A_97] : memref<16384x64xf32, #tpu.memory_space<hbm>> -> memref<128x64xf32, #tpu.memory_space<hbm>>
      %dma_start3A_99 = arith.constant 0 : i32
      %dma_start3A_100 = tpu.memref_slice %arg7[%add3A_48, %dma_start3A_99] : memref<16384x64xf32, #tpu.memory_space<hbm>> -> memref<128x64xf32, #tpu.memory_space<hbm>>
      tpu.enqueue_dma source(%arg11 : memref<128x64xf32, #tpu.memory_space<vmem>>) target(%dma_start3A_100 : memref<128x64xf32, #tpu.memory_space<hbm>>) target_semaphore(%run_scoped3A : memref<!tpu.dma_semaphore, #tpu.memory_space<semaphore_mem>>)
      %dma_wait3A_101 = arith.constant 0 : i32
      %dma_wait3A_102 = tpu.memref_slice %arg7[%add3A_48, %dma_wait3A_101] : memref<16384x64xf32, #tpu.memory_space<hbm>> -> memref<128x64xf32, #tpu.memory_space<hbm>>
      %dma_wait3A_103 = arith.constant 0 : i32
      %dma_wait3A_104 = tpu.memref_slice %arg7[%add3A_48, %dma_wait3A_103] : memref<16384x64xf32, #tpu.memory_space<hbm>> -> memref<128x64xf32, #tpu.memory_space<hbm>>
      tpu.wait_dma2 semaphore(%run_scoped3A : memref<!tpu.dma_semaphore, #tpu.memory_space<semaphore_mem>>) src(%arg11 : memref<128x64xf32, #tpu.memory_space<vmem>>) dst(%dma_wait3A_104 : memref<128x64xf32, #tpu.memory_space<hbm>>)
      tpu.yield
    }) : () -> ()
    %dma_start3A_49 = arith.constant 256 : i32
    %dma_start3A_50 = tpu.memref_slice %arg8[%dma_start3A_49] : memref<512xi32, #tpu.memory_space<vmem>> -> memref<128xi32, #tpu.memory_space<vmem>>
    %dma_start3A_51 = arith.constant 0 : i32
    %dma_start3A_52 = arith.constant 0 : i32
    %dma_start3A_53 = tpu.memref_slice %arg4[%dma_start3A_51, %dma_start3A_52] : memref<100000x64xf32, #tpu.memory_space<hbm>> -> memref<100000x64xf32, #tpu.memory_space<hbm>>
    tpu.enqueue_indirect_dma source(%dma_start3A_53 : memref<100000x64xf32, #tpu.memory_space<hbm>>) target(%arg10 : memref<128x64xf32, #tpu.memory_space<vmem>>) offsets(%dma_start3A_50 : memref<128xi32, #tpu.memory_space<vmem>>) semaphore(%arg12 : memref<!tpu.dma_semaphore, #tpu.memory_space<semaphore_mem>>)
    %dma_start3A_54 = arith.constant 256 : i32
    %dma_start3A_55 = tpu.memref_slice %arg9[%dma_start3A_54] : memref<512xi32, #tpu.memory_space<vmem>> -> memref<128xi32, #tpu.memory_space<vmem>>
    %dma_start3A_56 = arith.constant 0 : i32
    %dma_start3A_57 = arith.constant 0 : i32
    %dma_start3A_58 = tpu.memref_slice %arg5[%dma_start3A_56, %dma_start3A_57] : memref<100000x64xf32, #tpu.memory_space<hbm>> -> memref<100000x64xf32, #tpu.memory_space<hbm>>
    tpu.enqueue_indirect_dma source(%dma_start3A_58 : memref<100000x64xf32, #tpu.memory_space<hbm>>) target(%arg11 : memref<128x64xf32, #tpu.memory_space<vmem>>) offsets(%dma_start3A_55 : memref<128xi32, #tpu.memory_space<vmem>>) semaphore(%arg12 : memref<!tpu.dma_semaphore, #tpu.memory_space<semaphore_mem>>)
    %dma_wait3A_59 = arith.constant 256 : i32
    %dma_wait3A_60 = tpu.memref_slice %arg8[%dma_wait3A_59] : memref<512xi32, #tpu.memory_space<vmem>> -> memref<128xi32, #tpu.memory_space<vmem>>
    %dma_wait3A_61 = arith.constant 0 : i32
    %dma_wait3A_62 = arith.constant 0 : i32
    %dma_wait3A_63 = tpu.memref_slice %arg4[%dma_wait3A_61, %dma_wait3A_62] : memref<100000x64xf32, #tpu.memory_space<hbm>> -> memref<100000x64xf32, #tpu.memory_space<hbm>>
    tpu.wait_indirect_dma semaphore(%arg12 : memref<!tpu.dma_semaphore, #tpu.memory_space<semaphore_mem>>) src(%dma_wait3A_63 : memref<100000x64xf32, #tpu.memory_space<hbm>>) dst(%arg10 : memref<128x64xf32, #tpu.memory_space<vmem>>)
    %dma_wait3A_64 = arith.constant 256 : i32
    %dma_wait3A_65 = tpu.memref_slice %arg9[%dma_wait3A_64] : memref<512xi32, #tpu.memory_space<vmem>> -> memref<128xi32, #tpu.memory_space<vmem>>
    %dma_wait3A_66 = arith.constant 0 : i32
    %dma_wait3A_67 = arith.constant 0 : i32
    %dma_wait3A_68 = tpu.memref_slice %arg5[%dma_wait3A_66, %dma_wait3A_67] : memref<100000x64xf32, #tpu.memory_space<hbm>> -> memref<100000x64xf32, #tpu.memory_space<hbm>>
    tpu.wait_indirect_dma semaphore(%arg12 : memref<!tpu.dma_semaphore, #tpu.memory_space<semaphore_mem>>) src(%dma_wait3A_68 : memref<100000x64xf32, #tpu.memory_space<hbm>>) dst(%arg11 : memref<128x64xf32, #tpu.memory_space<vmem>>)
    %add3A_69 = arith.constant 256 : i32
    %add3A_70 = arith.addi %mul3A_2, %add3A_69 : i32
    "tpu.region"() ({
      %run_scoped3A = tpu.sem_alloc : memref<!tpu.dma_semaphore, #tpu.memory_space<semaphore_mem>>
      %dma_start3A_97 = arith.constant 0 : i32
      %dma_start3A_98 = tpu.memref_slice %arg6[%add3A_70, %dma_start3A_97] : memref<16384x64xf32, #tpu.memory_space<hbm>> -> memref<128x64xf32, #tpu.memory_space<hbm>>
      %dma_start3A_99 = arith.constant 0 : i32
      %dma_start3A_100 = tpu.memref_slice %arg6[%add3A_70, %dma_start3A_99] : memref<16384x64xf32, #tpu.memory_space<hbm>> -> memref<128x64xf32, #tpu.memory_space<hbm>>
      tpu.enqueue_dma source(%arg10 : memref<128x64xf32, #tpu.memory_space<vmem>>) target(%dma_start3A_100 : memref<128x64xf32, #tpu.memory_space<hbm>>) target_semaphore(%run_scoped3A : memref<!tpu.dma_semaphore, #tpu.memory_space<semaphore_mem>>)
      %dma_wait3A_101 = arith.constant 0 : i32
      %dma_wait3A_102 = tpu.memref_slice %arg6[%add3A_70, %dma_wait3A_101] : memref<16384x64xf32, #tpu.memory_space<hbm>> -> memref<128x64xf32, #tpu.memory_space<hbm>>
      %dma_wait3A_103 = arith.constant 0 : i32
      %dma_wait3A_104 = tpu.memref_slice %arg6[%add3A_70, %dma_wait3A_103] : memref<16384x64xf32, #tpu.memory_space<hbm>> -> memref<128x64xf32, #tpu.memory_space<hbm>>
      tpu.wait_dma2 semaphore(%run_scoped3A : memref<!tpu.dma_semaphore, #tpu.memory_space<semaphore_mem>>) src(%arg10 : memref<128x64xf32, #tpu.memory_space<vmem>>) dst(%dma_wait3A_104 : memref<128x64xf32, #tpu.memory_space<hbm>>)
      tpu.yield
    }) : () -> ()
    %add3A_71 = arith.constant 256 : i32
    %add3A_72 = arith.addi %mul3A_2, %add3A_71 : i32
    "tpu.region"() ({
      %run_scoped3A = tpu.sem_alloc : memref<!tpu.dma_semaphore, #tpu.memory_space<semaphore_mem>>
      %dma_start3A_97 = arith.constant 0 : i32
      %dma_start3A_98 = tpu.memref_slice %arg7[%add3A_72, %dma_start3A_97] : memref<16384x64xf32, #tpu.memory_space<hbm>> -> memref<128x64xf32, #tpu.memory_space<hbm>>
      %dma_start3A_99 = arith.constant 0 : i32
      %dma_start3A_100 = tpu.memref_slice %arg7[%add3A_72, %dma_start3A_99] : memref<16384x64xf32, #tpu.memory_space<hbm>> -> memref<128x64xf32, #tpu.memory_space<hbm>>
      tpu.enqueue_dma source(%arg11 : memref<128x64xf32, #tpu.memory_space<vmem>>) target(%dma_start3A_100 : memref<128x64xf32, #tpu.memory_space<hbm>>) target_semaphore(%run_scoped3A : memref<!tpu.dma_semaphore, #tpu.memory_space<semaphore_mem>>)
      %dma_wait3A_101 = arith.constant 0 : i32
      %dma_wait3A_102 = tpu.memref_slice %arg7[%add3A_72, %dma_wait3A_101] : memref<16384x64xf32, #tpu.memory_space<hbm>> -> memref<128x64xf32, #tpu.memory_space<hbm>>
      %dma_wait3A_103 = arith.constant 0 : i32
      %dma_wait3A_104 = tpu.memref_slice %arg7[%add3A_72, %dma_wait3A_103] : memref<16384x64xf32, #tpu.memory_space<hbm>> -> memref<128x64xf32, #tpu.memory_space<hbm>>
      tpu.wait_dma2 semaphore(%run_scoped3A : memref<!tpu.dma_semaphore, #tpu.memory_space<semaphore_mem>>) src(%arg11 : memref<128x64xf32, #tpu.memory_space<vmem>>) dst(%dma_wait3A_104 : memref<128x64xf32, #tpu.memory_space<hbm>>)
      tpu.yield
    }) : () -> ()
    %dma_start3A_73 = arith.constant 384 : i32
    %dma_start3A_74 = tpu.memref_slice %arg8[%dma_start3A_73] : memref<512xi32, #tpu.memory_space<vmem>> -> memref<128xi32, #tpu.memory_space<vmem>>
    %dma_start3A_75 = arith.constant 0 : i32
    %dma_start3A_76 = arith.constant 0 : i32
    %dma_start3A_77 = tpu.memref_slice %arg4[%dma_start3A_75, %dma_start3A_76] : memref<100000x64xf32, #tpu.memory_space<hbm>> -> memref<100000x64xf32, #tpu.memory_space<hbm>>
    tpu.enqueue_indirect_dma source(%dma_start3A_77 : memref<100000x64xf32, #tpu.memory_space<hbm>>) target(%arg10 : memref<128x64xf32, #tpu.memory_space<vmem>>) offsets(%dma_start3A_74 : memref<128xi32, #tpu.memory_space<vmem>>) semaphore(%arg12 : memref<!tpu.dma_semaphore, #tpu.memory_space<semaphore_mem>>)
    %dma_start3A_78 = arith.constant 384 : i32
    %dma_start3A_79 = tpu.memref_slice %arg9[%dma_start3A_78] : memref<512xi32, #tpu.memory_space<vmem>> -> memref<128xi32, #tpu.memory_space<vmem>>
    %dma_start3A_80 = arith.constant 0 : i32
    %dma_start3A_81 = arith.constant 0 : i32
    %dma_start3A_82 = tpu.memref_slice %arg5[%dma_start3A_80, %dma_start3A_81] : memref<100000x64xf32, #tpu.memory_space<hbm>> -> memref<100000x64xf32, #tpu.memory_space<hbm>>
    tpu.enqueue_indirect_dma source(%dma_start3A_82 : memref<100000x64xf32, #tpu.memory_space<hbm>>) target(%arg11 : memref<128x64xf32, #tpu.memory_space<vmem>>) offsets(%dma_start3A_79 : memref<128xi32, #tpu.memory_space<vmem>>) semaphore(%arg12 : memref<!tpu.dma_semaphore, #tpu.memory_space<semaphore_mem>>)
    %dma_wait3A_83 = arith.constant 384 : i32
    %dma_wait3A_84 = tpu.memref_slice %arg8[%dma_wait3A_83] : memref<512xi32, #tpu.memory_space<vmem>> -> memref<128xi32, #tpu.memory_space<vmem>>
    %dma_wait3A_85 = arith.constant 0 : i32
    %dma_wait3A_86 = arith.constant 0 : i32
    %dma_wait3A_87 = tpu.memref_slice %arg4[%dma_wait3A_85, %dma_wait3A_86] : memref<100000x64xf32, #tpu.memory_space<hbm>> -> memref<100000x64xf32, #tpu.memory_space<hbm>>
    tpu.wait_indirect_dma semaphore(%arg12 : memref<!tpu.dma_semaphore, #tpu.memory_space<semaphore_mem>>) src(%dma_wait3A_87 : memref<100000x64xf32, #tpu.memory_space<hbm>>) dst(%arg10 : memref<128x64xf32, #tpu.memory_space<vmem>>)
    %dma_wait3A_88 = arith.constant 384 : i32
    %dma_wait3A_89 = tpu.memref_slice %arg9[%dma_wait3A_88] : memref<512xi32, #tpu.memory_space<vmem>> -> memref<128xi32, #tpu.memory_space<vmem>>
    %dma_wait3A_90 = arith.constant 0 : i32
    %dma_wait3A_91 = arith.constant 0 : i32
    %dma_wait3A_92 = tpu.memref_slice %arg5[%dma_wait3A_90, %dma_wait3A_91] : memref<100000x64xf32, #tpu.memory_space<hbm>> -> memref<100000x64xf32, #tpu.memory_space<hbm>>
    tpu.wait_indirect_dma semaphore(%arg12 : memref<!tpu.dma_semaphore, #tpu.memory_space<semaphore_mem>>) src(%dma_wait3A_92 : memref<100000x64xf32, #tpu.memory_space<hbm>>) dst(%arg11 : memref<128x64xf32, #tpu.memory_space<vmem>>)
    %add3A_93 = arith.constant 384 : i32
    %add3A_94 = arith.addi %mul3A_2, %add3A_93 : i32
    "tpu.region"() ({
      %run_scoped3A = tpu.sem_alloc : memref<!tpu.dma_semaphore, #tpu.memory_space<semaphore_mem>>
      %dma_start3A_97 = arith.constant 0 : i32
      %dma_start3A_98 = tpu.memref_slice %arg6[%add3A_94, %dma_start3A_97] : memref<16384x64xf32, #tpu.memory_space<hbm>> -> memref<128x64xf32, #tpu.memory_space<hbm>>
      %dma_start3A_99 = arith.constant 0 : i32
      %dma_start3A_100 = tpu.memref_slice %arg6[%add3A_94, %dma_start3A_99] : memref<16384x64xf32, #tpu.memory_space<hbm>> -> memref<128x64xf32, #tpu.memory_space<hbm>>
      tpu.enqueue_dma source(%arg10 : memref<128x64xf32, #tpu.memory_space<vmem>>) target(%dma_start3A_100 : memref<128x64xf32, #tpu.memory_space<hbm>>) target_semaphore(%run_scoped3A : memref<!tpu.dma_semaphore, #tpu.memory_space<semaphore_mem>>)
      %dma_wait3A_101 = arith.constant 0 : i32
      %dma_wait3A_102 = tpu.memref_slice %arg6[%add3A_94, %dma_wait3A_101] : memref<16384x64xf32, #tpu.memory_space<hbm>> -> memref<128x64xf32, #tpu.memory_space<hbm>>
      %dma_wait3A_103 = arith.constant 0 : i32
      %dma_wait3A_104 = tpu.memref_slice %arg6[%add3A_94, %dma_wait3A_103] : memref<16384x64xf32, #tpu.memory_space<hbm>> -> memref<128x64xf32, #tpu.memory_space<hbm>>
      tpu.wait_dma2 semaphore(%run_scoped3A : memref<!tpu.dma_semaphore, #tpu.memory_space<semaphore_mem>>) src(%arg10 : memref<128x64xf32, #tpu.memory_space<vmem>>) dst(%dma_wait3A_104 : memref<128x64xf32, #tpu.memory_space<hbm>>)
      tpu.yield
    }) : () -> ()
    %add3A_95 = arith.constant 384 : i32
    %add3A_96 = arith.addi %mul3A_2, %add3A_95 : i32
    "tpu.region"() ({
      %run_scoped3A = tpu.sem_alloc : memref<!tpu.dma_semaphore, #tpu.memory_space<semaphore_mem>>
      %dma_start3A_97 = arith.constant 0 : i32
      %dma_start3A_98 = tpu.memref_slice %arg7[%add3A_96, %dma_start3A_97] : memref<16384x64xf32, #tpu.memory_space<hbm>> -> memref<128x64xf32, #tpu.memory_space<hbm>>
      %dma_start3A_99 = arith.constant 0 : i32
      %dma_start3A_100 = tpu.memref_slice %arg7[%add3A_96, %dma_start3A_99] : memref<16384x64xf32, #tpu.memory_space<hbm>> -> memref<128x64xf32, #tpu.memory_space<hbm>>
      tpu.enqueue_dma source(%arg11 : memref<128x64xf32, #tpu.memory_space<vmem>>) target(%dma_start3A_100 : memref<128x64xf32, #tpu.memory_space<hbm>>) target_semaphore(%run_scoped3A : memref<!tpu.dma_semaphore, #tpu.memory_space<semaphore_mem>>)
      %dma_wait3A_101 = arith.constant 0 : i32
      %dma_wait3A_102 = tpu.memref_slice %arg7[%add3A_96, %dma_wait3A_101] : memref<16384x64xf32, #tpu.memory_space<hbm>> -> memref<128x64xf32, #tpu.memory_space<hbm>>
      %dma_wait3A_103 = arith.constant 0 : i32
      %dma_wait3A_104 = tpu.memref_slice %arg7[%add3A_96, %dma_wait3A_103] : memref<16384x64xf32, #tpu.memory_space<hbm>> -> memref<128x64xf32, #tpu.memory_space<hbm>>
      tpu.wait_dma2 semaphore(%run_scoped3A : memref<!tpu.dma_semaphore, #tpu.memory_space<semaphore_mem>>) src(%arg11 : memref<128x64xf32, #tpu.memory_space<vmem>>) dst(%dma_wait3A_104 : memref<128x64xf32, #tpu.memory_space<hbm>>)
      tpu.yield
    }) : () -> ()
    return
  }
}

module attributes {stable_mosaic.version = 14 : i64} {
  func.func @_mlp_body(%arg0: i32, %arg1: i32, %arg2: memref<512x64xf32, #tpu.memory_space<vmem>>, %arg3: memref<512x64xf32, #tpu.memory_space<vmem>>, %arg4: memref<64x128xf32, #tpu.memory_space<vmem>>, %arg5: memref<1x128xf32, #tpu.memory_space<vmem>>, %arg6: memref<128x2048xf32, #tpu.memory_space<vmem>>, %arg7: memref<1x2048xf32, #tpu.memory_space<vmem>>, %arg8: memref<512x2048xf32, #tpu.memory_space<vmem>>) attributes {dimension_semantics = [#tpu.dimension_semantics<arbitrary>, #tpu.dimension_semantics<arbitrary>], iteration_bounds = array<i64: 49, 32>, scalar_prefetch = 0 : i64, scratch_operands = 0 : i64, tpu.core_type = #tpu.core_type<tc>, window_params = [{transform_indices = @transform_0, window_bounds = array<i64: 512, 64>}, {transform_indices = @transform_1, window_bounds = array<i64: 512, 64>}, {pipeline_mode = #tpu.pipeline_mode<synchronous>, transform_indices = @transform_2, window_bounds = array<i64: 64, 128>}, {pipeline_mode = #tpu.pipeline_mode<synchronous>, transform_indices = @transform_3, window_bounds = array<i64: 1, 128>}, {transform_indices = @transform_4, window_bounds = array<i64: 128, 2048>}, {transform_indices = @transform_5, window_bounds = array<i64: 1, 2048>}, {transform_indices = @transform_6, window_bounds = array<i64: 512, 2048>}]} {
    %get3A = arith.constant 0 : index
    %get3A_0 = arith.constant 0 : index
    %get3A_1 = vector.load %arg2[%get3A, %get3A_0] : memref<512x64xf32, #tpu.memory_space<vmem>>, vector<512x64xf32>
    %get3A_2 = arith.constant 0 : index
    %get3A_3 = arith.constant 0 : index
    %get3A_4 = vector.load %arg3[%get3A_2, %get3A_3] : memref<512x64xf32, #tpu.memory_space<vmem>>, vector<512x64xf32>
    %add3A = arith.addf %get3A_1, %get3A_4 : vector<512x64xf32>
    %get3A_5 = arith.constant 0 : index
    %get3A_6 = arith.constant 0 : index
    %get3A_7 = vector.load %arg4[%get3A_5, %get3A_6] : memref<64x128xf32, #tpu.memory_space<vmem>>, vector<64x128xf32>
    %dot_general3A = arith.constant dense<0.000000e+00> : vector<512x128xf32>
    %dot_general3A_8 = tpu.matmul %add3A, %get3A_7, %dot_general3A {dimension_numbers = #tpu.dot_dimension_numbers<[1], [0], [0], [1], [0, 0, 1, 1], [], []>, transpose_lhs_hint = false} : vector<512x64xf32>, vector<64x128xf32>, vector<512x128xf32> -> vector<512x128xf32>
    %get3A_9 = arith.constant 0 : index
    %get3A_10 = arith.constant 0 : index
    %get3A_11 = vector.load %arg5[%get3A_9, %get3A_10] : memref<1x128xf32, #tpu.memory_space<vmem>>, vector<1x128xf32>
    %add3A_12 = vector.broadcast %get3A_11 : vector<1x128xf32> to vector<512x128xf32>
    %add3A_13 = arith.addf %dot_general3A_8, %add3A_12 : vector<512x128xf32>
    %max3A = arith.constant 0.000000e+00 : f32
    %max3A_14 = vector.broadcast %max3A : f32 to vector<512x128xf32>
    %max3A_15 = arith.maximumf %add3A_13, %max3A_14 : vector<512x128xf32>
    %get3A_16 = arith.constant 0 : index
    %get3A_17 = arith.constant 0 : index
    %get3A_18 = vector.load %arg6[%get3A_16, %get3A_17] : memref<128x2048xf32, #tpu.memory_space<vmem>>, vector<128x2048xf32>
    %dot_general3A_19 = arith.constant dense<0.000000e+00> : vector<512x2048xf32>
    %dot_general3A_20 = tpu.matmul %max3A_15, %get3A_18, %dot_general3A_19 {dimension_numbers = #tpu.dot_dimension_numbers<[1], [0], [0], [1], [0, 0, 1, 1], [], []>, transpose_lhs_hint = false} : vector<512x128xf32>, vector<128x2048xf32>, vector<512x2048xf32> -> vector<512x2048xf32>
    %get3A_21 = arith.constant 0 : index
    %get3A_22 = arith.constant 0 : index
    %get3A_23 = vector.load %arg7[%get3A_21, %get3A_22] : memref<1x2048xf32, #tpu.memory_space<vmem>>, vector<1x2048xf32>
    %add3A_24 = vector.broadcast %get3A_23 : vector<1x2048xf32> to vector<512x2048xf32>
    %add3A_25 = arith.addf %dot_general3A_20, %add3A_24 : vector<512x2048xf32>
    %swap3A = arith.constant 0 : index
    %swap3A_26 = arith.constant 0 : index
    %swap3A_27 = vector.load %arg8[%swap3A, %swap3A_26] : memref<512x2048xf32, #tpu.memory_space<vmem>>, vector<512x2048xf32>
    tpu.vector_store %arg8[%swap3A, %swap3A_26], %add3A_25 {strides = array<i32>} : memref<512x2048xf32, #tpu.memory_space<vmem>>, vector<512x2048xf32>,
    return
  }
  func.func @transform_0(%arg0: i32, %arg1: i32) -> (i32, i32) {
    %c0_i32 = arith.constant 0 : i32
    %c0_i32_0 = arith.constant 0 : i32
    return %arg1, %c0_i32 : i32, i32
  }
  func.func @transform_1(%arg0: i32, %arg1: i32) -> (i32, i32) {
    %c0_i32 = arith.constant 0 : i32
    %c0_i32_0 = arith.constant 0 : i32
    return %arg1, %c0_i32 : i32, i32
  }
  func.func @transform_2(%arg0: i32, %arg1: i32) -> (i32, i32) {
    %c0_i32 = arith.constant 0 : i32
    %c0_i32_0 = arith.constant 0 : i32
    %c0_i32_1 = arith.constant 0 : i32
    return %c0_i32, %c0_i32_0 : i32, i32
  }
  func.func @transform_3(%arg0: i32, %arg1: i32) -> (i32, i32) {
    %c0_i32 = arith.constant 0 : i32
    %c0_i32_0 = arith.constant 0 : i32
    %c0_i32_1 = arith.constant 0 : i32
    return %c0_i32, %c0_i32_0 : i32, i32
  }
  func.func @transform_4(%arg0: i32, %arg1: i32) -> (i32, i32) {
    %c0_i32 = arith.constant 0 : i32
    %c0_i32_0 = arith.constant 0 : i32
    return %c0_i32, %arg0 : i32, i32
  }
  func.func @transform_5(%arg0: i32, %arg1: i32) -> (i32, i32) {
    %c0_i32 = arith.constant 0 : i32
    %c0_i32_0 = arith.constant 0 : i32
    return %c0_i32, %arg0 : i32, i32
  }
  func.func @transform_6(%arg0: i32, %arg1: i32) -> (i32, i32) {
    %c0_i32 = arith.constant 0 : i32
    return %arg1, %arg0 : i32, i32
  }
}

</mosaic_0001>

<sc_bundles>
// kernel: kernel.4.cloned.1.call-start
scs
__scs_entry_jumppad:
0x0: {  	(pc) =	sbr.rel $0x88, $3  }
0x1: {  	(tag) =	ssettag $0x0;
	lr =	simm.s32 $0x1  }
0x2: {  	[smem:$0x3F99] =	sst lr;
	_ =	strace $0xD0000000  }
0x3: {  	_ = 	snop  }
0x4: {  	_ = 	snop  }
0x5: {  	_ = 	snop  }
0x6: {  	_ = 	snop  }
0x7: {  	_ = 	snop  }
__scs_overlays_trampoline_lowered:
0x8: {  	[smem:$0x3FA8] =	sst s0  }
0x9: {  	[smem:$0x3FA9] =	sst s1  }
0xa: {  	[smem:$0x3FAA] =	sst s2  }
0xb: {  	[smem:$0x3FAB] =	sst s3  }
0xc: {  	[smem:$0x3FAC] =	sst s4  }
0xd: {  	[smem:$0x3FAD] =	sst s5  }
0xe: {  	[smem:$0x3FAE] =	sst s6  }
0xf: {  	[smem:$0x3FAF] =	sst s7  }
0x10: {  	[smem:$0x3FB0] =	sst s8  }
0x11: {  	[smem:$0x3FB1] =	sst s9;
	s0 =	simm.s32 @!p0 $0x0  }
0x12: {  	s1 =	sld [smem:$0x3F97];
	s0 =	simm.s32 @p0 $0x1  }
0x13: {  	[smem:$0x3FB2] =	sst s0;
	s0 =	simm.s32 @!p1 $0x0  }
0x14: {  	s2 =	sld [smem:$0x3F96];
	s0 =	simm.s32 @p1 $0x1  }
0x15: {  	[smem:$0x3FB3] =	sst s0;
	s0 =	simm.s32 @!p2 $0x0  }
0x16: {  	s3 =	sld [smem:$0x3FDB];
	s0 =	simm.s32 @p2 $0x1  }
0x17: {  	s4 =	simm.s32 $0x1BF5;
	[smem:$0x3FB5] =	sst s0  }
0x18: {  	s0 =	sld [smem:$0x3F98];
	_ =	swait.ge [sflag:s4], $0x0  }
0x19: {  	s7 =	sld [smem:$0x3F99]  }
0x1a: {  	s8 =	sadd.s32 $0xFFFFE003, lr  }
0x1b: {  	s9 =	sadd.s32 $0xFFFFFEF7, lr;
	s5 =	simm.s32 $0xFFFFFFFF;
	p2 =	slt.u32 s8, $0xFFFFF086  }
0x1c: {  	p1 =	slt.u32 s9, $0xF7A;
	s5 =	simm.s32 @!p2 $0x0  }
0x1d: {  	s5 =	simm.s32 @p1 $0x1;
	p0 =	seq.s32 s7, s2  }
0x1e: {  	s7 =	smul.u32 @!p0 $0xF7A, s2;
	p2 =	seq.s32 @!p0 s5, $0x0  }
0x1f: {  	s9 =	smul.u32 $0xF7A, s1;
	s8 =	simm.s32 @!p0 $0x1BF5;
	p2 =	por !p2, p0  }
0x20: {  	[sflag:s8] =	ssyncset.s32 @!p0 $0xFFFFF086;
	s6 =	sadd.s32 @!p0 s3, s7;
	s7 =	simm.s32 @!p0 $0x108  }
0x21: {  	s3 =	sadd.s32 s3, s9;
	s6 =	sadd.s32 @!p0 $0x88, s6;
	s7 =	simm.s32 @p2 $0x1082  }
0x22: {  	[simem:s7], [sflag:s8] =	dma.local @!p0 [hbm:s6], $0xF7A  }
0x23: {  	s9 =	sor.u32 $0xD0000000, s2;
	s6 =	simm.s32 $0x108;
	_ =	swait.ge @!p0 [sflag:s8], $0x0  }
0x24: {  	s3 =	sadd.s32 $0x88, s3;
	s6 =	simm.s32 @!p1 $0x1082;
	[sflag:s4] =	ssyncset.s32 $0xFFFFF086  }
0x25: {  	[simem:s6], [sflag:s4] =	dma.local [hbm:s3], $0xF7A  }
0x26: {  	[smem:$0x3F99] =	sst s1;
	(tag) =	ssettag s2;
	_ =	strace s9  }
0x27: {  	s1 =	sld [smem:$0x3FA9]  }
0x28: {  	s2 =	sld [smem:$0x3FAA]  }
0x29: {  	s4 =	sld [smem:$0x3FAC]  }
0x2a: {  	p0 =	seq.s32 s5, $0x0;
	s5 =	sld [smem:$0x3FAD]  }
0x2b: {  	s6 =	sld [smem:$0x3FAE]  }
0x2c: {  	s7 =	sld [smem:$0x3FAF]  }
0x2d: {  	s3 =	simm.s32 $0x108;
	s8 =	sld [smem:$0x3FB0]  }
0x2e: {  	s3 =	simm.s32 @!p0 $0x1082;
	s9 =	sld [smem:$0x3FB1]  }
0x2f: {  	lr =	sadd.s32 s0, s3;
	s0 =	sld [smem:$0x3FA8]  }
0x30: {  	s3 =	sld [smem:$0x3FAB]  }
0x31: {  	[smem:$0x3FB4] =	sst s10  }
0x32: {  	s10 =	sld [smem:$0x3FB2];
	_ =	sdelay $0x3  }
0x33: {  	p0 =	seq.s32 s10, $0x1;
	s10 =	sld [smem:$0x3FB4];
	_ =	sdelay $0x3  }
0x34: {  	[smem:$0x3FB4] =	sst s10  }
0x35: {  	s10 =	sld [smem:$0x3FB3];
	_ =	sdelay $0x3  }
0x36: {  	p1 =	seq.s32 s10, $0x1;
	s10 =	sld [smem:$0x3FB4];
	_ =	sdelay $0x3  }
0x37: {  	[smem:$0x3FB4] =	sst s10  }
0x38: {  	s10 =	sld [smem:$0x3FB5]  }
0x39: {  	_ = 	snop;
	(pc) =	sbr.ind lr, $3  }
0x3a: {  	_ = 	snop  }
0x3b: {  	_ = 	snop  }
0x3c: {  	p2 =	seq.s32 s10, $0x1;
	s10 =	sld [smem:$0x3FB4]  }
0x3d: {  	_ =	shalt  }
0x3e: {  	_ =	shalt  }
0x3f: {  	_ =	shalt  }
0x40: {  	_ =	shalt  }
0x41: {  	_ =	shalt  }
0x42: {  	_ =	shalt  }
0x43: {  	_ =	shalt  }
0x44: {  	_ =	shalt  }
0x45: {  	_ =	shalt  }
0x46: {  	_ =	shalt  }
0x47: {  	_ =	shalt  }
0x48: {  	_ =	shalt  }
0x49: {  	_ =	shalt  }
0x4a: {  	_ =	shalt  }
0x4b: {  	_ =	shalt  }
0x4c: {  	_ =	shalt  }
0x4d: {  	_ =	shalt  }
0x4e: {  	_ =	shalt  }
0x4f: {  	_ =	shalt  }
0x50: {  	_ =	shalt  }
0x51: {  	_ =	shalt  }
0x52: {  	_ =	shalt  }
0x53: {  	_ =	shalt  }
0x54: {  	_ =	shalt  }
0x55: {  	_ =	shalt  }
0x56: {  	_ =	shalt  }
0x57: {  	_ =	shalt  }
0x58: {  	_ =	shalt  }
0x59: {  	_ =	shalt  }
0x5a: {  	_ =	shalt  }
0x5b: {  	_ =	shalt  }
0x5c: {  	_ =	shalt  }
0x5d: {  	_ =	shalt  }
0x5e: {  	_ =	shalt  }
0x5f: {  	_ =	shalt  }
0x60: {  	_ =	shalt  }
0x61: {  	_ =	shalt  }
0x62: {  	_ =	shalt  }
0x63: {  	_ =	shalt  }
0x64: {  	_ =	shalt  }
0x65: {  	_ =	shalt  }
0x66: {  	_ =	shalt  }
0x67: {  	_ =	shalt  }
0x68: {  	_ =	shalt  }
0x69: {  	_ =	shalt  }
0x6a: {  	_ =	shalt  }
0x6b: {  	_ =	shalt  }
0x6c: {  	_ =	shalt  }
0x6d: {  	_ =	shalt  }
0x6e: {  	_ =	shalt  }
0x6f: {  	_ =	shalt  }
0x70: {  	_ =	shalt  }
0x71: {  	_ =	shalt  }
0x72: {  	_ =	shalt  }
0x73: {  	_ =	shalt  }
0x74: {  	_ =	shalt  }
0x75: {  	_ =	shalt  }
0x76: {  	_ =	shalt  }
0x77: {  	_ =	shalt  }
0x78: {  	_ =	shalt  }
0x79: {  	_ =	shalt  }
0x7a: {  	_ =	shalt  }
0x7b: {  	_ =	shalt  }
0x7c: {  	_ =	shalt  }
0x7d: {  	_ =	shalt  }
0x7e: {  	_ =	shalt  }
0x7f: {  	_ =	shalt  }
0x80: {  	_ =	shalt  }
0x81: {  	_ =	shalt  }
0x82: {  	_ =	shalt  }
0x83: {  	_ =	shalt  }
0x84: {  	_ =	shalt  }
0x85: {  	_ =	shalt  }
0x86: {  	_ =	shalt  }
0x87: {  	_ =	shalt  }
.Lfunc_end0:
.L_simem_size_0:
called_computation_lowered:
.L_overlay_start_0:
0x88: {  	s2 =	sld [smem:$0x3FD9]  }
0x89: {  	s3 =	sld [smem:$0x3FFE];
	_ =	sdelay $0x1  }
0x8a: {  	s1 =	srdreg.scid  }
0x8b: {  	s0 =	sand.u32 $0x1, s1  }
0x8c: {  	s17 =	sshll.u32 s0, $0xA;
	s2 =	sadd.s32 s3, s2  }
0x8d: {  	s2 =	sadd.s32 s2, s17  }
0x8e: {  	[smem:$0x3FC0] =	sst s2  }
0x8f: {  	_ = 	snop  }
0x90: {  	s2 =	sld [smem:$0x3FC9]  }
0x91: {  	s18 =	sld [smem:$0x3FC8];
	(tm) =	ssettm $0x1  }
0x92: {  	s4 =	sld [smem:$0x3FFB];
	_ =	sdelay $0x3  }
0x93: {  	_ =	strace s4  }
0x94: {  	s4 =	sld [smem:$0x3FFC];
	_ =	sdelay $0x3  }
0x95: {  	_ =	strace s4  }
0x96: {  	s4 =	sld [smem:$0x3FFD];
	_ =	sdelay $0x3  }
0x97: {  	_ =	strace s4  }
0x98: {  	_ =	strace $0x8FFFFFFF  }
0x99: {  	s19 =	sld [smem:$0x3FDB];
	_ =	sdelay $0x1  }
0x9a: {  	s5 =	simm.s32 $_scs_section_size  }
0x9b: {  	s6 =	simm.s32 $_size__tile_overlayer_lowered;
	s7 =	simm.s32 $_tile_overlayer_lowered  }
0x9c: {  	s22 =	simm.s32 $0x1BFF;
	s21 =	sshll.u32 s7, $0x1;
	s4 =	sadd.s32 s5, s19  }
0x9d: {  	s8 =	simm.s32 $0x0;
	s20 =	sshll.u32 s6, $0x1;
	s6 =	sadd.s32 s21, s4  }
0x9e: {  	[timem:s8], [sflag:s22] =	dma.local [hbm:s6], s20  }
0x9f: {  	_ =	swait.ge [sflag:s22], s20  }
0xa0: {  	s5 =	ssub.s32 $0x0, s20;
	[sflag:s22] =	ssyncset.done $0x0  }
0xa1: {  	[sflag:s22] =	ssyncadd.s32 s5;
	_ =	sdelay $0x1  }
0xa2: {  	s23 =	simm.s32 $0x1B8B  }
0xa3: {  	_ =	swait.ge [sflag:s23], $0x1  }
0xa4: {  	[sflag:s23] =	ssyncset.done $0x0  }
0xa5: {  	s25 =	simm.s32 $0x1B8E;
	s24 =	sld [smem:$0x3FFE];
	[sflag:s23] =	ssyncadd.s32 $0xFFFFFFFF  }
0xa6: {  	s26 =	simm.s32 $execute0_lowered;
	[smem:$0x3FD2] =	sst s25  }
0xa7: {  	s6 =	sshll.u32 s26, $0x1;
	_ =	strace $0x80000046;
	[dreg:$0x1] =	wrdreg $0xFFFFFFFF  }
0xa8: {  	s28 =	simm.s32 $_size_execute0_lowered;
	s4 =	sadd.s32 s4, s6;
	[dreg:$0x0] =	wrdreg $0x0  }
0xa9: {  	s6 =	sshll.u32 s28, $0x1;
	[dreg:$0x2] =	wrdreg s4  }
0xaa: {  	[dreg:$0x3] =	wrdreg s6  }
0xab: {  	[dreg:$0x4] =	wrdreg $0xC0  }
0xac: {  	_ =	task [dreg:s8], $0x5FFFF  }
0xad: {  	[dreg:$0x1] =	wrdreg $0xFFFFFFFF  }
0xae: {  	[dreg:$0x0] =	wrdreg $0x60  }
0xaf: {  	[dreg:$0x2] =	wrdreg s2  }
0xb0: {  	[dreg:$0x3] =	wrdreg s18  }
0xb1: {  	[dreg:$0x4] =	wrdreg s24  }
0xb2: {  	[dreg:$0x5] =	wrdreg $0x9  }
0xb3: {  	_ =	task.clear_ibuf [dreg:s8], $0x6FFFF;
	_ =	strace $0x90000046  }
0xb4: {  	s29 =	simm.s32 $0x9;
	_ =	strace $0x80000048  }
0xb5: {  	_ =	swait.ge [sflag:s29], $0x1  }
0xb6: {  	[sflag:s29] =	ssyncadd.s32 $0xFFFFFFFF  }
0xb7: {  	_ =	strace $0x90000048  }
0xb8: {  	_ =	sfence  }
0xb9: {  	s30 =	sld [smem:$0x0];
	_ =	sdelay $0x2  }
0xba: {  	s31 =	sshll.u32 s1, $0xD;
	s1 =	sshrl.u32 s1, $0x2  }
0xbb: {  	s3 =	sand.u32 $0x4000, s31;
	s1 =	sadd.s32 s1, s30  }
0xbc: {  	s0 =	sor.u32 s3, s0;
	s1 =	sshll.u32 s1, $0x11  }
0xbd: {  	s0 =	sor.u32 s1, s0  }
0xbe: {  	s0 =	sadd.s32 $0x8F2B, s0  }
0xbf: {  	[sflag:s0] =	ssyncadd.remote.s32 $0x1  }
0xc0: {  	_ =	sfence.sel $0xFFFF  }
0xc1: {  	[dreg:$0x0] =	wrdreg $0xFFFFFFFF;
	(pc) =	sbr.abs _section_cstart, $3  }
0xc2: {  	[dreg:$0x1] =	wrdreg $0xFFFFFFFF  }
0xc3: {  	_ =	task.clear_ibuf [dreg:s8], $0x2FFFF;
	_ =	strace $0x9FFFFFFF  }
0xc4: {  	(tm) =	ssettm $0x7FFFFFFF  }
0xc5: {  	_ =	shalt  }
tec
execute0_lowered:
.L_overlay_start_1:
0x0: {  	(tag) =	ssettag $0x1  }
0x1: {  	s3 =	rddreg [dreg:$0x0];
	s1 =	srdreg.scid  }
0x2: {  	s5 =	rddreg [dreg:$0x1];
	s0 =	stileid.u32;
	s24 =	sand.u32 $0x1, s1  }
0x3: {  	s14 =	rddreg [dreg:$0x2];
	s4 =	sshll.u32 s0, $0xA;
	s6 =	sshll.u32 s24, $0x9  }
0x4: {  	s2 =	simm.s32 $0x0;
	s1 =	rddreg [dreg:$0x3];
	s13 =	sor.u32 s6, s4  }
0x5: {  	[smem:$0x7FF] =	sst s2;
	s6 =	sshrl.u32 s13, $0x3  }
0x6: {  	_ =	strace $0x80000047;
	s4 =	sadd.s32 s3, s6;
	s3 =	simm.s32 $0x2  }
0x7: {  	[tilespmem:s2], [sflag:$0x2] =	stream.linear.gather [hbm4b:s4+s2], $0x200, $0x38;
	[tilespmem:$0x4400] =	vst v63  }
0x8: {  	_ =	swait.ge [sflag:s3], $0x200  }
0x9: {  	[sflag:s3] =	ssyncset.done $0x0  }
0xa: {  	s5 =	sadd.s32 s5, s6;
	s6 =	simm.s32 $0x200;
	[sflag:s3] =	ssyncadd.s32 $0xFFFFFE00  }
0xb: {  	[tilespmem:s6], [sflag:$0x2] =	stream.linear.gather [hbm4b:s5+s2], $0x200, $0x38;
	[tilespmem:$0x4400] =	vst v63  }
0xc: {  	_ =	swait.ge [sflag:s3], $0x200  }
0xd: {  	s8 =	simm.s32 $0x80;
	[sflag:s3] =	ssyncset.done $0x0  }
0xe: {  	s9 =	simm.s32 $0x400;
	s7 =	sadd.s32 $0x2A00, s14;
	[sflag:s3] =	ssyncadd.s32 $0xFFFFFE00  }
0xf: {  	[tilespmem:s9], [sflag:$0x1] =	stream.indirect.gather [hbm4b:s7+s8], $0x40, s2, s8, $0xb8;
	[tilespmem:$0x4400] =	vst v63  }
0x10: {  	s11 =	simm.s32 $0x2400;
	s12 =	simm.s32 $0x1;
	s10 =	sadd.s32 $0xC6000, s14  }
0x11: {  	[tilespmem:s11], [sflag:$0x1] =	stream.indirect.gather [hbm4b:s10+s8], $0x40, s6, s8, $0xb8;
	[tilespmem:$0x4400] =	vst v63  }
0x12: {  	_ =	swait.ge [sflag:s12], $0x2000  }
0x13: {  	[sflag:s12] =	ssyncset.done $0x0  }
0x14: {  	[sflag:s12] =	ssyncadd.s32 $0xFFFFE000  }
0x15: {  	_ =	swait.ge [sflag:s12], $0x2000  }
0x16: {  	s25 =	sadd.s32 $0x1A9600, s14;
	s28 =	sshll.u32 s13, $0x3;
	[sflag:s12] =	ssyncset.done $0x0  }
0x17: {  	s13 =	sadd.s32 s25, s28;
	[sflag:s12] =	ssyncadd.s32 $0xFFFFE000  }
0x18: {  	[hbm4b:s13+s2] =	stream.linear.scatter [tilespmem:s9], [sflag:$0x2], $0x2000, $0x38;
	[tilespmem:$0x4400] =	vst v63  }
0x19: {  	_ =	swait.ge [sflag:s3], $0x2000  }
0x1a: {  	s26 =	sadd.s32 $0x189600, s14;
	[sflag:s3] =	ssyncset.done $0x0  }
0x1b: {  	s14 =	sadd.s32 s26, s28;
	[sflag:s3] =	ssyncadd.s32 $0xFFFFE000  }
0x1c: {  	[hbm4b:s14+s2] =	stream.linear.scatter [tilespmem:s11], [sflag:$0x2], $0x2000, $0x38;
	[tilespmem:$0x4400] =	vst v63  }
0x1d: {  	_ =	swait.ge [sflag:s3], $0x2000  }
0x1e: {  	[sflag:s3] =	ssyncset.done $0x0  }
0x1f: {  	[sflag:s3] =	ssyncadd.s32 $0xFFFFE000  }
0x20: {  	[tilespmem:s9], [sflag:$0x1] =	stream.indirect.gather [hbm4b:s7+s8], $0x40, s8, s8, $0xb8;
	[tilespmem:$0x4400] =	vst v63  }
0x21: {  	s15 =	simm.s32 $0x280  }
0x22: {  	[tilespmem:s11], [sflag:$0x1] =	stream.indirect.gather [hbm4b:s10+s8], $0x40, s15, s8, $0xb8;
	[tilespmem:$0x4400] =	vst v63  }
0x23: {  	_ =	swait.ge [sflag:s12], $0x2000  }
0x24: {  	[sflag:s12] =	ssyncset.done $0x0  }
0x25: {  	[sflag:s12] =	ssyncadd.s32 $0xFFFFE000  }
0x26: {  	_ =	swait.ge [sflag:s12], $0x2000  }
0x27: {  	s17 =	sor.u32 $0x400, s28;
	[sflag:s12] =	ssyncset.done $0x0  }
0x28: {  	s16 =	sadd.s32 s25, s17;
	[sflag:s12] =	ssyncadd.s32 $0xFFFFE000  }
0x29: {  	[hbm4b:s16+s2] =	stream.linear.scatter [tilespmem:s9], [sflag:$0x2], $0x2000, $0x38;
	[tilespmem:$0x4400] =	vst v63  }
0x2a: {  	_ =	swait.ge [sflag:s3], $0x2000  }
0x2b: {  	[sflag:s3] =	ssyncset.done $0x0  }
0x2c: {  	s17 =	sadd.s32 s26, s17;
	[sflag:s3] =	ssyncadd.s32 $0xFFFFE000  }
0x2d: {  	[hbm4b:s17+s2] =	stream.linear.scatter [tilespmem:s11], [sflag:$0x2], $0x2000, $0x38;
	[tilespmem:$0x4400] =	vst v63  }
0x2e: {  	_ =	swait.ge [sflag:s3], $0x2000  }
0x2f: {  	[sflag:s3] =	ssyncset.done $0x0  }
0x30: {  	s18 =	simm.s32 $0x100;
	[sflag:s3] =	ssyncadd.s32 $0xFFFFE000  }
0x31: {  	[tilespmem:s9], [sflag:$0x1] =	stream.indirect.gather [hbm4b:s7+s8], $0x40, s18, s8, $0xb8;
	[tilespmem:$0x4400] =	vst v63  }
0x32: {  	s19 =	simm.s32 $0x300  }
0x33: {  	[tilespmem:s11], [sflag:$0x1] =	stream.indirect.gather [hbm4b:s10+s8], $0x40, s19, s8, $0xb8;
	[tilespmem:$0x4400] =	vst v63  }
0x34: {  	_ =	swait.ge [sflag:s12], $0x2000  }
0x35: {  	[sflag:s12] =	ssyncset.done $0x0  }
0x36: {  	[sflag:s12] =	ssyncadd.s32 $0xFFFFE000  }
0x37: {  	_ =	swait.ge [sflag:s12], $0x2000  }
0x38: {  	s21 =	sor.u32 $0x800, s28;
	[sflag:s12] =	ssyncset.done $0x0  }
0x39: {  	s20 =	sadd.s32 s25, s21;
	[sflag:s12] =	ssyncadd.s32 $0xFFFFE000  }
0x3a: {  	[hbm4b:s20+s2] =	stream.linear.scatter [tilespmem:s9], [sflag:$0x2], $0x2000, $0x38;
	[tilespmem:$0x4400] =	vst v63  }
0x3b: {  	_ =	swait.ge [sflag:s3], $0x2000  }
0x3c: {  	[sflag:s3] =	ssyncset.done $0x0  }
0x3d: {  	s21 =	sadd.s32 s26, s21;
	[sflag:s3] =	ssyncadd.s32 $0xFFFFE000  }
0x3e: {  	[hbm4b:s21+s2] =	stream.linear.scatter [tilespmem:s11], [sflag:$0x2], $0x2000, $0x38;
	[tilespmem:$0x4400] =	vst v63  }
0x3f: {  	_ =	swait.ge [sflag:s3], $0x2000  }
0x40: {  	[sflag:s3] =	ssyncset.done $0x0  }
0x41: {  	s22 =	simm.s32 $0x180;
	[sflag:s3] =	ssyncadd.s32 $0xFFFFE000  }
0x42: {  	[tilespmem:s9], [sflag:$0x1] =	stream.indirect.gather [hbm4b:s7+s8], $0x40, s22, s8, $0xb8;
	[tilespmem:$0x4400] =	vst v63  }
0x43: {  	s23 =	simm.s32 $0x380  }
0x44: {  	[tilespmem:s11], [sflag:$0x1] =	stream.indirect.gather [hbm4b:s10+s8], $0x40, s23, s8, $0xb8;
	[tilespmem:$0x4400] =	vst v63  }
0x45: {  	_ =	swait.ge [sflag:s12], $0x2000  }
0x46: {  	[sflag:s12] =	ssyncset.done $0x0  }
0x47: {  	s29 =	ssub.s32 $0x2, s24;
	[sflag:s12] =	ssyncadd.s32 $0xFFFFE000  }
0x48: {  	s30 =	sshrl.u32 s29, $0x1;
	_ =	swait.ge [sflag:s12], $0x2000  }
0x49: {  	s29 =	ssub.s32 s29, s30;
	s28 =	sor.u32 $0xC00, s28;
	[sflag:s12] =	ssyncset.done $0x0  }
0x4a: {  	s31 =	smax.u32 s29, $0x1;
	s24 =	sadd.s32 s25, s28;
	[sflag:s12] =	ssyncadd.s32 $0xFFFFE000  }
0x4b: {  	[hbm4b:s24+s2] =	stream.linear.scatter [tilespmem:s9], [sflag:$0x2], $0x2000, $0x38;
	[tilespmem:$0x4400] =	vst v63  }
0x4c: {  	p0 =	sne.s32 s31, $0x1;
	_ =	swait.ge [sflag:s3], $0x2000  }
.Ltmp0:
0x4d: {  	[sflag:s3] =	ssyncset.done $0x0;
	(pc) =	sbr.rel @!p0 .LBB2_2-.Ltmp0, $4  }
0x4e: {  	s25 =	sadd.s32 s26, s28;
	[sflag:s3] =	ssyncadd.s32 $0xFFFFE000  }
0x4f: {  	[hbm4b:s25+s2] =	stream.linear.scatter [tilespmem:s11], [sflag:$0x2], $0x2000, $0x38;
	[tilespmem:$0x4400] =	vst v63  }
0x50: {  	_ =	swait.ge [sflag:s3], $0x2000  }
0x51: {  	s26 =	sadd.s32 $0xFFFFFFFF, s31;
	[sflag:s3] =	ssyncset.done $0x0  }
.LBB2_1:
0x52: {  	p0 =	sne.s32 s26, $0x1;
	s26 =	sadd.s32 $0xFFFFFFFF, s26;
	[sflag:s3] =	ssyncadd.s32 $0xFFFFE000  }
0x53: {  	[tilespmem:s2], [sflag:$0x2] =	stream.linear.gather [hbm4b:s4+s2], $0x200, $0x38;
	[tilespmem:$0x4400] =	vst v63  }
0x54: {  	_ =	swait.ge [sflag:s3], $0x200  }
0x55: {  	[sflag:s3] =	ssyncset.done $0x0  }
0x56: {  	[sflag:s3] =	ssyncadd.s32 $0xFFFFFE00  }
0x57: {  	[tilespmem:s6], [sflag:$0x2] =	stream.linear.gather [hbm4b:s5+s2], $0x200, $0x38;
	[tilespmem:$0x4400] =	vst v63  }
0x58: {  	_ =	swait.ge [sflag:s3], $0x200  }
0x59: {  	[sflag:s3] =	ssyncset.done $0x0  }
0x5a: {  	[sflag:s3] =	ssyncadd.s32 $0xFFFFFE00  }
0x5b: {  	[tilespmem:s9], [sflag:$0x1] =	stream.indirect.gather [hbm4b:s7+s8], $0x40, s2, s8, $0xb8;
	[tilespmem:$0x4400] =	vst v63  }
0x5c: {  	_ = 	snop  }
0x5d: {  	[tilespmem:s11], [sflag:$0x1] =	stream.indirect.gather [hbm4b:s10+s8], $0x40, s6, s8, $0xb8;
	[tilespmem:$0x4400] =	vst v63  }
0x5e: {  	_ =	swait.ge [sflag:s12], $0x2000  }
0x5f: {  	[sflag:s12] =	ssyncset.done $0x0  }
0x60: {  	[sflag:s12] =	ssyncadd.s32 $0xFFFFE000  }
0x61: {  	_ =	swait.ge [sflag:s12], $0x2000  }
0x62: {  	[sflag:s12] =	ssyncset.done $0x0  }
0x63: {  	[sflag:s12] =	ssyncadd.s32 $0xFFFFE000  }
0x64: {  	[hbm4b:s13+s2] =	stream.linear.scatter [tilespmem:s9], [sflag:$0x2], $0x2000, $0x38;
	[tilespmem:$0x4400] =	vst v63  }
0x65: {  	_ =	swait.ge [sflag:s3], $0x2000  }
0x66: {  	[sflag:s3] =	ssyncset.done $0x0  }
0x67: {  	[sflag:s3] =	ssyncadd.s32 $0xFFFFE000  }
0x68: {  	[hbm4b:s14+s2] =	stream.linear.scatter [tilespmem:s11], [sflag:$0x2], $0x2000, $0x38;
	[tilespmem:$0x4400] =	vst v63  }
0x69: {  	_ =	swait.ge [sflag:s3], $0x2000  }
0x6a: {  	[sflag:s3] =	ssyncset.done $0x0  }
0x6b: {  	[sflag:s3] =	ssyncadd.s32 $0xFFFFE000  }
0x6c: {  	[tilespmem:s9], [sflag:$0x1] =	stream.indirect.gather [hbm4b:s7+s8], $0x40, s8, s8, $0xb8;
	[tilespmem:$0x4400] =	vst v63  }
0x6d: {  	_ = 	snop  }
0x6e: {  	[tilespmem:s11], [sflag:$0x1] =	stream.indirect.gather [hbm4b:s10+s8], $0x40, s15, s8, $0xb8;
	[tilespmem:$0x4400] =	vst v63  }
0x6f: {  	_ =	swait.ge [sflag:s12], $0x2000  }
0x70: {  	[sflag:s12] =	ssyncset.done $0x0  }
0x71: {  	[sflag:s12] =	ssyncadd.s32 $0xFFFFE000  }
0x72: {  	_ =	swait.ge [sflag:s12], $0x2000  }
0x73: {  	[sflag:s12] =	ssyncset.done $0x0  }
0x74: {  	[sflag:s12] =	ssyncadd.s32 $0xFFFFE000  }
0x75: {  	[hbm4b:s16+s2] =	stream.linear.scatter [tilespmem:s9], [sflag:$0x2], $0x2000, $0x38;
	[tilespmem:$0x4400] =	vst v63  }
0x76: {  	_ =	swait.ge [sflag:s3], $0x2000  }
0x77: {  	[sflag:s3] =	ssyncset.done $0x0  }
0x78: {  	[sflag:s3] =	ssyncadd.s32 $0xFFFFE000  }
0x79: {  	[hbm4b:s17+s2] =	stream.linear.scatter [tilespmem:s11], [sflag:$0x2], $0x2000, $0x38;
	[tilespmem:$0x4400] =	vst v63  }
0x7a: {  	_ =	swait.ge [sflag:s3], $0x2000  }
0x7b: {  	[sflag:s3] =	ssyncset.done $0x0  }
0x7c: {  	[sflag:s3] =	ssyncadd.s32 $0xFFFFE000  }
0x7d: {  	[tilespmem:s9], [sflag:$0x1] =	stream.indirect.gather [hbm4b:s7+s8], $0x40, s18, s8, $0xb8;
	[tilespmem:$0x4400] =	vst v63  }
0x7e: {  	_ = 	snop  }
0x7f: {  	[tilespmem:s11], [sflag:$0x1] =	stream.indirect.gather [hbm4b:s10+s8], $0x40, s19, s8, $0xb8;
	[tilespmem:$0x4400] =	vst v63  }
0x80: {  	_ =	swait.ge [sflag:s12], $0x2000  }
0x81: {  	[sflag:s12] =	ssyncset.done $0x0  }
0x82: {  	[sflag:s12] =	ssyncadd.s32 $0xFFFFE000  }
0x83: {  	_ =	swait.ge [sflag:s12], $0x2000  }
0x84: {  	[sflag:s12] =	ssyncset.done $0x0  }
0x85: {  	[sflag:s12] =	ssyncadd.s32 $0xFFFFE000  }
0x86: {  	[hbm4b:s20+s2] =	stream.linear.scatter [tilespmem:s9], [sflag:$0x2], $0x2000, $0x38;
	[tilespmem:$0x4400] =	vst v63  }
0x87: {  	_ =	swait.ge [sflag:s3], $0x2000  }
0x88: {  	[sflag:s3] =	ssyncset.done $0x0  }
0x89: {  	[sflag:s3] =	ssyncadd.s32 $0xFFFFE000  }
0x8a: {  	[hbm4b:s21+s2] =	stream.linear.scatter [tilespmem:s11], [sflag:$0x2], $0x2000, $0x38;
	[tilespmem:$0x4400] =	vst v63  }
0x8b: {  	_ =	swait.ge [sflag:s3], $0x2000  }
0x8c: {  	[sflag:s3] =	ssyncset.done $0x0  }
0x8d: {  	[sflag:s3] =	ssyncadd.s32 $0xFFFFE000  }
0x8e: {  	[tilespmem:s9], [sflag:$0x1] =	stream.indirect.gather [hbm4b:s7+s8], $0x40, s22, s8, $0xb8;
	[tilespmem:$0x4400] =	vst v63  }
0x8f: {  	_ = 	snop  }
0x90: {  	[tilespmem:s11], [sflag:$0x1] =	stream.indirect.gather [hbm4b:s10+s8], $0x40, s23, s8, $0xb8;
	[tilespmem:$0x4400] =	vst v63  }
0x91: {  	_ =	swait.ge [sflag:s12], $0x2000  }
0x92: {  	[sflag:s12] =	ssyncset.done $0x0  }
0x93: {  	[sflag:s12] =	ssyncadd.s32 $0xFFFFE000  }
0x94: {  	_ =	swait.ge [sflag:s12], $0x2000  }
0x95: {  	[sflag:s12] =	ssyncset.done $0x0  }
0x96: {  	[sflag:s12] =	ssyncadd.s32 $0xFFFFE000  }
0x97: {  	[hbm4b:s24+s2] =	stream.linear.scatter [tilespmem:s9], [sflag:$0x2], $0x2000, $0x38;
	[tilespmem:$0x4400] =	vst v63  }
0x98: {  	_ =	swait.ge [sflag:s3], $0x2000  }
.Ltmp1:
0x99: {  	[sflag:s3] =	ssyncset.done $0x0;
	(pc) =	sbr.rel @p0 .LBB2_1-.Ltmp1, $4  }
0x9a: {  	[sflag:s3] =	ssyncadd.s32 $0xFFFFE000  }
0x9b: {  	[hbm4b:s25+s2] =	stream.linear.scatter [tilespmem:s11], [sflag:$0x2], $0x2000, $0x38;
	[tilespmem:$0x4400] =	vst v63  }
0x9c: {  	_ =	swait.ge [sflag:s3], $0x2000  }
0x9d: {  	[sflag:s3] =	ssyncset.done $0x0  }
.LBB2_2:
0x9e: {  	[sflag:s3] =	ssyncadd.s32 $0xFFFFE000  }
0x9f: {  	_ =	sfence.sel $0x180000  }
0xa0: {  	[bflag:$0x0] =	sbarrier.arrive $0xFFFF  }
0xa1: {  	p0 =	sne.s32 s0, $0x0;
	_ =	strace $0x90000047  }
0xa2: {  	s0 =	sadd.s32 @!p0 $0x100000, s1;
	[bflag:$0x2] =	sbarrier.arrive $0xFFFF  }
0xa3: {  	[sflag:s0] =	ssyncadd.tile.s32 @!p0 $0x1;
	_ =	shalt  }
.Lfunc_end2:
_tile_overlayer_lowered:
.L_overlay_start_2:
0xa4: {  	(tag) =	ssettag $0x2  }
0xa5: {  	s0 =	rddreg [dreg:$0x0];
	s2 =	stileid.u32  }
0xa6: {  	s1 =	rddreg [dreg:$0x1];
	p0 =	sne.s32 s2, $0x0  }
0xa7: {  	s3 =	rddreg [dreg:$0x2];
	[bflag:$0x3] =	sbarrier.arrive $0xFFFF;
	s2 =	simm.s32 @!p0 $0x1C02  }
0xa8: {  	[timem:s3], [sflag:s2] =	dma.local @!p0 [hbm:s0], s1  }
0xa9: {  	s0 =	simm.s32 @!p0 $0x2  }
0xaa: {  	_ =	swait.ge @!p0 [sflag:s0], s1  }
0xab: {  	s1 =	ssub.s32 @!p0 $0x0, s1;
	[sflag:s0] =	ssyncset.done @!p0 $0x0  }
0xac: {  	[sflag:s0] =	ssyncadd.s32 @!p0 s1  }
0xad: {  	[bflag:$0x3] =	sbarrier.arrive $0xFFFF  }
0xae: {  	_ =	shalt  }

</sc_bundles>
